<compile_context>
chip_gen: v7x
topology: tpu7x:2x2x1
jax: 0.10.2.dev20260603
libtpu: 0.0.44.dev20260713+nightly
codegen_flags: <defaults>
</compile_context>

<pallas_src>
import functools

import jax
import jax.numpy as jnp
from jax import lax
from jax.experimental import pallas as pl
from jax.experimental.pallas import tpu as pltpu
from jax.experimental.pallas import tpu_sc as plsc

_INFO = plsc.get_sparse_core_info()
_NC = _INFO.num_cores
_NS = _INFO.num_subcores
_NW = _NC * _NS


def _make_gather(B, V, D, chunk, nbuf):
    assert B % (_NW * chunk) == 0
    b_per_w = B // _NW
    chunks_per_w = b_per_w // chunk
    assert chunks_per_w % nbuf == 0
    n_groups = chunks_per_w // nbuf
    assert n_groups >= 2
    mesh = plsc.VectorSubcoreMesh(core_axis_name="c", subcore_axis_name="s")

    @functools.partial(
        pl.kernel,
        mesh=mesh,
        out_type=jax.ShapeDtypeStruct((B, D), jnp.float32),
        scratch_types=[
            pltpu.VMEM((b_per_w,), jnp.int32),
            pltpu.VMEM_SHARED((V, D), jnp.float32),
            *([pltpu.VMEM((chunk, D), jnp.float32)] * nbuf),
            *([pltpu.SemaphoreType.DMA] * 2 * nbuf),
        ],
    )
    def gather(idx_hbm, table_hbm, out_hbm, idx_v, table_sh, *bufs):
        rows = bufs[:nbuf]
        gsem = bufs[nbuf:2 * nbuf]
        osem = bufs[2 * nbuf:]
        wid = lax.axis_index("s") * _NC + lax.axis_index("c")
        base = wid * b_per_w

        @pl.when(lax.axis_index("s") == 0)
        def _():
            pltpu.sync_copy(table_hbm, table_sh)

        pltpu.sync_copy(idx_hbm.at[pl.ds(base, b_per_w)], idx_v)
        plsc.subcore_barrier()

        def fire_gather(i, b):
            pltpu.async_copy(
                table_sh.at[idx_v.at[pl.ds(i * chunk, chunk)]],
                rows[b], gsem[b])

        def wait_gather(b):
            pltpu.make_async_copy(
                table_sh.at[idx_v.at[pl.ds(0, chunk)]],
                rows[b], gsem[b]).wait()

        def fire_writeback(i, b):
            pltpu.async_copy(
                rows[b], out_hbm.at[pl.ds(base + i * chunk, chunk)], osem[b])

        def wait_writeback(b):
            pltpu.make_async_copy(
                rows[b], out_hbm.at[pl.ds(base, chunk)], osem[b]).wait()

        for b in range(nbuf):
            fire_gather(b, b)

        def body(g, carry):
            for b in range(nbuf):
                i = g * nbuf + b
                wait_gather(b)
                fire_writeback(i, b)
                nb = (b + 1) % nbuf
                if b < nbuf - 1:
                    @pl.when(g > 0)
                    def _():
                        wait_writeback(nb)
                        fire_gather(i + 1, nb)
                else:
                    @pl.when(g < n_groups - 1)
                    def _():
                        wait_writeback(nb)
                        fire_gather(i + 1, nb)
            return carry

        lax.fori_loop(0, n_groups, body, 0)

        for b in range(nbuf):
            wait_writeback(b)

    return gather


def kernel(timesteps, table):
    V, D = table.shape
    idx = timesteps.reshape(-1).astype(jnp.int32)
    B = idx.shape[0]
    out = _make_gather(B, V, D, chunk=320, nbuf=2)(idx, table)
    return out.reshape(timesteps.shape + (D,))

# --- scband reference (transcript-rebuilt; emitter-appended) ---
"""Pipeline reference for scband-timestep-embedding-35888746726138 (READ-ONLY COPY).

The authoritative reference and input builder live on the scoring server;
editing this copy changes nothing except your own understanding.
"""

import jax, jax.numpy as jnp
import numpy as np

MAX_TIMESTEP = 1000
EMBED_DIM = 128

def setup_inputs(seed: int = 0) -> dict:
    key = jax.random.key(seed)
    k1, k2 = jax.random.split(key)
    timesteps = jax.random.randint(k1, (4096, 200), 0, MAX_TIMESTEP, dtype=jnp.int64 if jax.config.jax_enable_x64 else jnp.int32)
    table = jax.random.normal(k2, (MAX_TIMESTEP, EMBED_DIM), dtype=jnp.float32)
    return {"timesteps": timesteps, "table": table}

def reference(timesteps, table):
    ts = jnp.clip(timesteps, 0, MAX_TIMESTEP - 1)
    return jnp.take(table, ts, axis=0)

if __name__ == "__main__":
    import jax
    _d = setup_inputs()
    print(jax.jit(kernel)(*tuple(_d.values())))

</pallas_src>

<mosaic_0001>
#map = affine_map<(d0, d1) -> (0)>
#map1 = affine_map<(d0, d1) -> (0, 0)>
module attributes {stable_mosaic.version = 14 : i64} {
  func.func @gather(%arg0: i32, %arg1: i32, %arg2: memref<819200xi32, #tpu.memory_space<hbm>>, %arg3: memref<1000x128xf32, #tpu.memory_space<hbm>>, %arg4: memref<819200x128xf32, #tpu.memory_space<hbm>>, %arg5: memref<25600xi32, #tpu.memory_space<vmem>>, %arg6: memref<1000x128xf32, #tpu.memory_space<vmem_shared>>, %arg7: memref<320x128xf32, #tpu.memory_space<vmem>>, %arg8: memref<320x128xf32, #tpu.memory_space<vmem>>, %arg9: memref<!tpu.dma_semaphore, #tpu.memory_space<semaphore_mem>>, %arg10: memref<!tpu.dma_semaphore, #tpu.memory_space<semaphore_mem>>, %arg11: memref<!tpu.dma_semaphore, #tpu.memory_space<semaphore_mem>>, %arg12: memref<!tpu.dma_semaphore, #tpu.memory_space<semaphore_mem>>) attributes {dimension_semantics = [#tpu.dimension_semantics<core_parallel>, #tpu.dimension_semantics<subcore_parallel>], iteration_bounds = array<i64: 2, 16>, scalar_prefetch = 0 : i64, scratch_operands = 8 : i64, tpu.core_type = #tpu.core_type<sc_vector_subcore>, window_params = [{transform_indices = #map}, {transform_indices = #map1}, {transform_indices = #map1}]} {
    %mul3A = arith.constant 2 : i32
    %mul3A_0 = arith.muli %arg1, %mul3A : i32
    %add3A = arith.addi %mul3A_0, %arg0 : i32
    %mul3A_1 = arith.constant 25600 : i32
    %mul3A_2 = arith.muli %add3A, %mul3A_1 : i32
    %eq3A = arith.constant 0 : i32
    %eq3A_3 = arith.cmpi eq, %arg1, %eq3A : i32
    %convert_element_type3A = arith.extui %eq3A_3 : i1 to i32
    %cond3A = arith.constant 0 : i32
    %cond3A_4 = arith.cmpi ne, %convert_element_type3A, %cond3A : i32
    scf.if %cond3A_4 {
      "tpu.region"() ({
        %run_scoped3A = tpu.sem_alloc : memref<!tpu.dma_semaphore, #tpu.memory_space<semaphore_mem>>
        tpu.enqueue_dma source(%arg3 : memref<1000x128xf32, #tpu.memory_space<hbm>>) target(%arg6 : memref<1000x128xf32, #tpu.memory_space<vmem_shared>>) target_semaphore(%run_scoped3A : memref<!tpu.dma_semaphore, #tpu.memory_space<semaphore_mem>>)
        tpu.wait_dma2 semaphore(%run_scoped3A : memref<!tpu.dma_semaphore, #tpu.memory_space<semaphore_mem>>) src(%arg3 : memref<1000x128xf32, #tpu.memory_space<hbm>>) dst(%arg6 : memref<1000x128xf32, #tpu.memory_space<vmem_shared>>)
        tpu.yield
      }) : () -> ()
    } else {
    }
    "tpu.region"() ({
      %run_scoped3A = tpu.sem_alloc : memref<!tpu.dma_semaphore, #tpu.memory_space<semaphore_mem>>
      %dma_start3A_26 = tpu.memref_slice %arg2[%mul3A_2] : memref<819200xi32, #tpu.memory_space<hbm>> -> memref<25600xi32, #tpu.memory_space<hbm>>
      %dma_start3A_27 = tpu.memref_slice %arg2[%mul3A_2] : memref<819200xi32, #tpu.memory_space<hbm>> -> memref<25600xi32, #tpu.memory_space<hbm>>
      tpu.enqueue_dma source(%dma_start3A_27 : memref<25600xi32, #tpu.memory_space<hbm>>) target(%arg5 : memref<25600xi32, #tpu.memory_space<vmem>>) target_semaphore(%run_scoped3A : memref<!tpu.dma_semaphore, #tpu.memory_space<semaphore_mem>>)
      %dma_wait3A_28 = tpu.memref_slice %arg2[%mul3A_2] : memref<819200xi32, #tpu.memory_space<hbm>> -> memref<25600xi32, #tpu.memory_space<hbm>>
      %dma_wait3A_29 = tpu.memref_slice %arg2[%mul3A_2] : memref<819200xi32, #tpu.memory_space<hbm>> -> memref<25600xi32, #tpu.memory_space<hbm>>
      tpu.wait_dma2 semaphore(%run_scoped3A : memref<!tpu.dma_semaphore, #tpu.memory_space<semaphore_mem>>) src(%dma_wait3A_29 : memref<25600xi32, #tpu.memory_space<hbm>>) dst(%arg5 : memref<25600xi32, #tpu.memory_space<vmem>>)
      tpu.yield
    }) : () -> ()
    %barrier3A = arith.constant 0 : index
    tpu.barrier barrier_id(%barrier3A)
    %dma_start3A = arith.constant 0 : i32
    %dma_start3A_5 = tpu.memref_slice %arg5[%dma_start3A] : memref<25600xi32, #tpu.memory_space<vmem>> -> memref<320xi32, #tpu.memory_space<vmem>>
    %dma_start3A_6 = arith.constant 0 : i32
    %dma_start3A_7 = arith.constant 0 : i32
    %dma_start3A_8 = tpu.memref_slice %arg6[%dma_start3A_6, %dma_start3A_7] : memref<1000x128xf32, #tpu.memory_space<vmem_shared>> -> memref<1000x128xf32, #tpu.memory_space<vmem_shared>>
    tpu.enqueue_indirect_dma source(%dma_start3A_8 : memref<1000x128xf32, #tpu.memory_space<vmem_shared>>) target(%arg7 : memref<320x128xf32, #tpu.memory_space<vmem>>) offsets(%dma_start3A_5 : memref<320xi32, #tpu.memory_space<vmem>>) semaphore(%arg9 : memref<!tpu.dma_semaphore, #tpu.memory_space<semaphore_mem>>)
    %dma_start3A_9 = arith.constant 320 : i32
    %dma_start3A_10 = tpu.memref_slice %arg5[%dma_start3A_9] : memref<25600xi32, #tpu.memory_space<vmem>> -> memref<320xi32, #tpu.memory_space<vmem>>
    %dma_start3A_11 = arith.constant 0 : i32
    %dma_start3A_12 = arith.constant 0 : i32
    %dma_start3A_13 = tpu.memref_slice %arg6[%dma_start3A_11, %dma_start3A_12] : memref<1000x128xf32, #tpu.memory_space<vmem_shared>> -> memref<1000x128xf32, #tpu.memory_space<vmem_shared>>
    tpu.enqueue_indirect_dma source(%dma_start3A_13 : memref<1000x128xf32, #tpu.memory_space<vmem_shared>>) target(%arg8 : memref<320x128xf32, #tpu.memory_space<vmem>>) offsets(%dma_start3A_10 : memref<320xi32, #tpu.memory_space<vmem>>) semaphore(%arg10 : memref<!tpu.dma_semaphore, #tpu.memory_space<semaphore_mem>>)
    %scan3A = arith.constant 0 : i32
    %scan3A_14 = arith.constant 0 : i32
    %scan3A_15 = arith.constant 40 : i32
    %scan3A_16 = arith.addi %scan3A_14, %scan3A_15 : i32
    %scan3A_17 = arith.constant 1 : i32
    scf.for %scan3A_26 = %scan3A_14 to %scan3A_16 step %scan3A_17  : i32 {
      %mul3A_27 = arith.constant 2 : i32
      %mul3A_28 = arith.muli %scan3A_26, %mul3A_27 : i32
      %add3A_29 = arith.constant 0 : i32
      %add3A_30 = arith.addi %mul3A_28, %add3A_29 : i32
      %dma_wait3A_31 = arith.constant 0 : i32
      %dma_wait3A_32 = tpu.memref_slice %arg5[%dma_wait3A_31] : memref<25600xi32, #tpu.memory_space<vmem>> -> memref<320xi32, #tpu.memory_space<vmem>>
      %dma_wait3A_33 = arith.constant 0 : i32
      %dma_wait3A_34 = arith.constant 0 : i32
      %dma_wait3A_35 = tpu.memref_slice %arg6[%dma_wait3A_33, %dma_wait3A_34] : memref<1000x128xf32, #tpu.memory_space<vmem_shared>> -> memref<1000x128xf32, #tpu.memory_space<vmem_shared>>
      tpu.wait_indirect_dma semaphore(%arg9 : memref<!tpu.dma_semaphore, #tpu.memory_space<semaphore_mem>>) src(%dma_wait3A_35 : memref<1000x128xf32, #tpu.memory_space<vmem_shared>>) dst(%arg7 : memref<320x128xf32, #tpu.memory_space<vmem>>)
      %mul3A_36 = arith.constant 320 : i32
      %mul3A_37 = arith.muli %add3A_30, %mul3A_36 : i32
      %add3A_38 = arith.addi %mul3A_2, %mul3A_37 : i32
      %dma_start3A_39 = arith.constant 0 : i32
      %dma_start3A_40 = tpu.memref_slice %arg4[%add3A_38, %dma_start3A_39] : memref<819200x128xf32, #tpu.memory_space<hbm>> -> memref<320x128xf32, #tpu.memory_space<hbm>>
      %dma_start3A_41 = arith.constant 0 : i32
      %dma_start3A_42 = tpu.memref_slice %arg4[%add3A_38, %dma_start3A_41] : memref<819200x128xf32, #tpu.memory_space<hbm>> -> memref<320x128xf32, #tpu.memory_space<hbm>>
      tpu.enqueue_dma source(%arg7 : memref<320x128xf32, #tpu.memory_space<vmem>>) target(%dma_start3A_42 : memref<320x128xf32, #tpu.memory_space<hbm>>) target_semaphore(%arg11 : memref<!tpu.dma_semaphore, #tpu.memory_space<semaphore_mem>>)
      %gt3A = arith.constant 0 : i32
      %gt3A_43 = arith.cmpi sgt, %scan3A_26, %gt3A : i32
      %convert_element_type3A_44 = arith.extui %gt3A_43 : i1 to i32
      %cond3A_45 = arith.constant 0 : i32
      %cond3A_46 = arith.cmpi ne, %convert_element_type3A_44, %cond3A_45 : i32
      scf.if %cond3A_46 {
        %dma_wait3A_67 = arith.constant 0 : i32
        %dma_wait3A_68 = tpu.memref_slice %arg4[%mul3A_2, %dma_wait3A_67] : memref<819200x128xf32, #tpu.memory_space<hbm>> -> memref<320x128xf32, #tpu.memory_space<hbm>>
        %dma_wait3A_69 = arith.constant 0 : i32
        %dma_wait3A_70 = tpu.memref_slice %arg4[%mul3A_2, %dma_wait3A_69] : memref<819200x128xf32, #tpu.memory_space<hbm>> -> memref<320x128xf32, #tpu.memory_space<hbm>>
        tpu.wait_dma2 semaphore(%arg12 : memref<!tpu.dma_semaphore, #tpu.memory_space<semaphore_mem>>) src(%arg8 : memref<320x128xf32, #tpu.memory_space<vmem>>) dst(%dma_wait3A_70 : memref<320x128xf32, #tpu.memory_space<hbm>>)
        %add3A_71 = arith.constant 1 : i32
        %add3A_72 = arith.addi %add3A_30, %add3A_71 : i32
        %mul3A_73 = arith.constant 320 : i32
        %mul3A_74 = arith.muli %add3A_72, %mul3A_73 : i32
        %dma_start3A_75 = tpu.memref_slice %arg5[%mul3A_74] : memref<25600xi32, #tpu.memory_space<vmem>> -> memref<320xi32, #tpu.memory_space<vmem>>
        %dma_start3A_76 = arith.constant 0 : i32
        %dma_start3A_77 = arith.constant 0 : i32
        %dma_start3A_78 = tpu.memref_slice %arg6[%dma_start3A_76, %dma_start3A_77] : memref<1000x128xf32, #tpu.memory_space<vmem_shared>> -> memref<1000x128xf32, #tpu.memory_space<vmem_shared>>
        tpu.enqueue_indirect_dma source(%dma_start3A_78 : memref<1000x128xf32, #tpu.memory_space<vmem_shared>>) target(%arg8 : memref<320x128xf32, #tpu.memory_space<vmem>>) offsets(%dma_start3A_75 : memref<320xi32, #tpu.memory_space<vmem>>) semaphore(%arg10 : memref<!tpu.dma_semaphore, #tpu.memory_space<semaphore_mem>>)
      } else {
      }
      %mul3A_47 = arith.constant 2 : i32
      %mul3A_48 = arith.muli %scan3A_26, %mul3A_47 : i32
      %add3A_49 = arith.constant 1 : i32
      %add3A_50 = arith.addi %mul3A_48, %add3A_49 : i32
      %dma_wait3A_51 = arith.constant 0 : i32
      %dma_wait3A_52 = tpu.memref_slice %arg5[%dma_wait3A_51] : memref<25600xi32, #tpu.memory_space<vmem>> -> memref<320xi32, #tpu.memory_space<vmem>>
      %dma_wait3A_53 = arith.constant 0 : i32
      %dma_wait3A_54 = arith.constant 0 : i32
      %dma_wait3A_55 = tpu.memref_slice %arg6[%dma_wait3A_53, %dma_wait3A_54] : memref<1000x128xf32, #tpu.memory_space<vmem_shared>> -> memref<1000x128xf32, #tpu.memory_space<vmem_shared>>
      tpu.wait_indirect_dma semaphore(%arg10 : memref<!tpu.dma_semaphore, #tpu.memory_space<semaphore_mem>>) src(%dma_wait3A_55 : memref<1000x128xf32, #tpu.memory_space<vmem_shared>>) dst(%arg8 : memref<320x128xf32, #tpu.memory_space<vmem>>)
      %mul3A_56 = arith.constant 320 : i32
      %mul3A_57 = arith.muli %add3A_50, %mul3A_56 : i32
      %add3A_58 = arith.addi %mul3A_2, %mul3A_57 : i32
      %dma_start3A_59 = arith.constant 0 : i32
      %dma_start3A_60 = tpu.memref_slice %arg4[%add3A_58, %dma_start3A_59] : memref<819200x128xf32, #tpu.memory_space<hbm>> -> memref<320x128xf32, #tpu.memory_space<hbm>>
      %dma_start3A_61 = arith.constant 0 : i32
      %dma_start3A_62 = tpu.memref_slice %arg4[%add3A_58, %dma_start3A_61] : memref<819200x128xf32, #tpu.memory_space<hbm>> -> memref<320x128xf32, #tpu.memory_space<hbm>>
      tpu.enqueue_dma source(%arg8 : memref<320x128xf32, #tpu.memory_space<vmem>>) target(%dma_start3A_62 : memref<320x128xf32, #tpu.memory_space<hbm>>) target_semaphore(%arg12 : memref<!tpu.dma_semaphore, #tpu.memory_space<semaphore_mem>>)
      %lt3A = arith.constant 39 : i32
      %lt3A_63 = arith.cmpi slt, %scan3A_26, %lt3A : i32
      %convert_element_type3A_64 = arith.extui %lt3A_63 : i1 to i32
      %cond3A_65 = arith.constant 0 : i32
      %cond3A_66 = arith.cmpi ne, %convert_element_type3A_64, %cond3A_65 : i32
      scf.if %cond3A_66 {
        %dma_wait3A_67 = arith.constant 0 : i32
        %dma_wait3A_68 = tpu.memref_slice %arg4[%mul3A_2, %dma_wait3A_67] : memref<819200x128xf32, #tpu.memory_space<hbm>> -> memref<320x128xf32, #tpu.memory_space<hbm>>
        %dma_wait3A_69 = arith.constant 0 : i32
        %dma_wait3A_70 = tpu.memref_slice %arg4[%mul3A_2, %dma_wait3A_69] : memref<819200x128xf32, #tpu.memory_space<hbm>> -> memref<320x128xf32, #tpu.memory_space<hbm>>
        tpu.wait_dma2 semaphore(%arg11 : memref<!tpu.dma_semaphore, #tpu.memory_space<semaphore_mem>>) src(%arg7 : memref<320x128xf32, #tpu.memory_space<vmem>>) dst(%dma_wait3A_70 : memref<320x128xf32, #tpu.memory_space<hbm>>)
        %add3A_71 = arith.constant 1 : i32
        %add3A_72 = arith.addi %add3A_50, %add3A_71 : i32
        %mul3A_73 = arith.constant 320 : i32
        %mul3A_74 = arith.muli %add3A_72, %mul3A_73 : i32
        %dma_start3A_75 = tpu.memref_slice %arg5[%mul3A_74] : memref<25600xi32, #tpu.memory_space<vmem>> -> memref<320xi32, #tpu.memory_space<vmem>>
        %dma_start3A_76 = arith.constant 0 : i32
        %dma_start3A_77 = arith.constant 0 : i32
        %dma_start3A_78 = tpu.memref_slice %arg6[%dma_start3A_76, %dma_start3A_77] : memref<1000x128xf32, #tpu.memory_space<vmem_shared>> -> memref<1000x128xf32, #tpu.memory_space<vmem_shared>>
        tpu.enqueue_indirect_dma source(%dma_start3A_78 : memref<1000x128xf32, #tpu.memory_space<vmem_shared>>) target(%arg7 : memref<320x128xf32, #tpu.memory_space<vmem>>) offsets(%dma_start3A_75 : memref<320xi32, #tpu.memory_space<vmem>>) semaphore(%arg9 : memref<!tpu.dma_semaphore, #tpu.memory_space<semaphore_mem>>)
      } else {
      }
    }
    %scan3A_18 = arith.constant 40 : i32
    %dma_wait3A = arith.constant 0 : i32
    %dma_wait3A_19 = tpu.memref_slice %arg4[%mul3A_2, %dma_wait3A] : memref<819200x128xf32, #tpu.memory_space<hbm>> -> memref<320x128xf32, #tpu.memory_space<hbm>>
    %dma_wait3A_20 = arith.constant 0 : i32
    %dma_wait3A_21 = tpu.memref_slice %arg4[%mul3A_2, %dma_wait3A_20] : memref<819200x128xf32, #tpu.memory_space<hbm>> -> memref<320x128xf32, #tpu.memory_space<hbm>>
    tpu.wait_dma2 semaphore(%arg11 : memref<!tpu.dma_semaphore, #tpu.memory_space<semaphore_mem>>) src(%arg7 : memref<320x128xf32, #tpu.memory_space<vmem>>) dst(%dma_wait3A_21 : memref<320x128xf32, #tpu.memory_space<hbm>>)
    %dma_wait3A_22 = arith.constant 0 : i32
    %dma_wait3A_23 = tpu.memref_slice %arg4[%mul3A_2, %dma_wait3A_22] : memref<819200x128xf32, #tpu.memory_space<hbm>> -> memref<320x128xf32, #tpu.memory_space<hbm>>
    %dma_wait3A_24 = arith.constant 0 : i32
    %dma_wait3A_25 = tpu.memref_slice %arg4[%mul3A_2, %dma_wait3A_24] : memref<819200x128xf32, #tpu.memory_space<hbm>> -> memref<320x128xf32, #tpu.memory_space<hbm>>
    tpu.wait_dma2 semaphore(%arg12 : memref<!tpu.dma_semaphore, #tpu.memory_space<semaphore_mem>>) src(%arg8 : memref<320x128xf32, #tpu.memory_space<vmem>>) dst(%dma_wait3A_25 : memref<320x128xf32, #tpu.memory_space<hbm>>)
    return
  }
}

</mosaic_0001>

<sc_bundles>
// kernel: kernel.3.cloned.1.call-start
scs
__scs_entry_jumppad:
0x0: {  	(pc) =	sbr.rel $0x88, $3  }
0x1: {  	(tag) =	ssettag $0x0;
	lr =	simm.s32 $0x1  }
0x2: {  	[smem:$0x3F9F] =	sst lr;
	_ =	strace $0xD0000000  }
0x3: {  	_ = 	snop  }
0x4: {  	_ = 	snop  }
0x5: {  	_ = 	snop  }
0x6: {  	_ = 	snop  }
0x7: {  	_ = 	snop  }
__scs_overlays_trampoline_lowered:
0x8: {  	[smem:$0x3FAE] =	sst s0  }
0x9: {  	[smem:$0x3FAF] =	sst s1  }
0xa: {  	[smem:$0x3FB0] =	sst s2  }
0xb: {  	[smem:$0x3FB1] =	sst s3  }
0xc: {  	[smem:$0x3FB2] =	sst s4  }
0xd: {  	[smem:$0x3FB3] =	sst s5  }
0xe: {  	[smem:$0x3FB4] =	sst s6  }
0xf: {  	[smem:$0x3FB5] =	sst s7  }
0x10: {  	[smem:$0x3FB6] =	sst s8  }
0x11: {  	[smem:$0x3FB7] =	sst s9;
	s0 =	simm.s32 @!p0 $0x0  }
0x12: {  	s1 =	sld [smem:$0x3F9D];
	s0 =	simm.s32 @p0 $0x1  }
0x13: {  	[smem:$0x3FB8] =	sst s0;
	s0 =	simm.s32 @!p1 $0x0  }
0x14: {  	s2 =	sld [smem:$0x3F9C];
	s0 =	simm.s32 @p1 $0x1  }
0x15: {  	[smem:$0x3FB9] =	sst s0;
	s0 =	simm.s32 @!p2 $0x0  }
0x16: {  	s3 =	sld [smem:$0x3FDB];
	s0 =	simm.s32 @p2 $0x1  }
0x17: {  	s4 =	simm.s32 $0x1BF5;
	[smem:$0x3FBB] =	sst s0  }
0x18: {  	s0 =	sld [smem:$0x3F9E];
	_ =	swait.ge [sflag:s4], $0x0  }
0x19: {  	s7 =	sld [smem:$0x3F9F]  }
0x1a: {  	s8 =	sadd.s32 $0xFFFFE003, lr  }
0x1b: {  	s9 =	sadd.s32 $0xFFFFFEF7, lr;
	s5 =	simm.s32 $0xFFFFFFFF;
	p2 =	slt.u32 s8, $0xFFFFF086  }
0x1c: {  	p1 =	slt.u32 s9, $0xF7A;
	s5 =	simm.s32 @!p2 $0x0  }
0x1d: {  	s5 =	simm.s32 @p1 $0x1;
	p0 =	seq.s32 s7, s2  }
0x1e: {  	s7 =	smul.u32 @!p0 $0xF7A, s2;
	p2 =	seq.s32 @!p0 s5, $0x0  }
0x1f: {  	s9 =	smul.u32 $0xF7A, s1;
	s8 =	simm.s32 @!p0 $0x1BF5;
	p2 =	por !p2, p0  }
0x20: {  	[sflag:s8] =	ssyncset.s32 @!p0 $0xFFFFF086;
	s6 =	sadd.s32 @!p0 s3, s7;
	s7 =	simm.s32 @!p0 $0x108  }
0x21: {  	s3 =	sadd.s32 s3, s9;
	s6 =	sadd.s32 @!p0 $0x88, s6;
	s7 =	simm.s32 @p2 $0x1082  }
0x22: {  	[simem:s7], [sflag:s8] =	dma.local @!p0 [hbm:s6], $0xF7A  }
0x23: {  	s9 =	sor.u32 $0xD0000000, s2;
	s6 =	simm.s32 $0x108;
	_ =	swait.ge @!p0 [sflag:s8], $0x0  }
0x24: {  	s3 =	sadd.s32 $0x88, s3;
	s6 =	simm.s32 @!p1 $0x1082;
	[sflag:s4] =	ssyncset.s32 $0xFFFFF086  }
0x25: {  	[simem:s6], [sflag:s4] =	dma.local [hbm:s3], $0xF7A  }
0x26: {  	[smem:$0x3F9F] =	sst s1;
	(tag) =	ssettag s2;
	_ =	strace s9  }
0x27: {  	s1 =	sld [smem:$0x3FAF]  }
0x28: {  	s2 =	sld [smem:$0x3FB0]  }
0x29: {  	s4 =	sld [smem:$0x3FB2]  }
0x2a: {  	p0 =	seq.s32 s5, $0x0;
	s5 =	sld [smem:$0x3FB3]  }
0x2b: {  	s6 =	sld [smem:$0x3FB4]  }
0x2c: {  	s7 =	sld [smem:$0x3FB5]  }
0x2d: {  	s3 =	simm.s32 $0x108;
	s8 =	sld [smem:$0x3FB6]  }
0x2e: {  	s3 =	simm.s32 @!p0 $0x1082;
	s9 =	sld [smem:$0x3FB7]  }
0x2f: {  	lr =	sadd.s32 s0, s3;
	s0 =	sld [smem:$0x3FAE]  }
0x30: {  	s3 =	sld [smem:$0x3FB1]  }
0x31: {  	[smem:$0x3FBA] =	sst s10  }
0x32: {  	s10 =	sld [smem:$0x3FB8];
	_ =	sdelay $0x3  }
0x33: {  	p0 =	seq.s32 s10, $0x1;
	s10 =	sld [smem:$0x3FBA];
	_ =	sdelay $0x3  }
0x34: {  	[smem:$0x3FBA] =	sst s10  }
0x35: {  	s10 =	sld [smem:$0x3FB9];
	_ =	sdelay $0x3  }
0x36: {  	p1 =	seq.s32 s10, $0x1;
	s10 =	sld [smem:$0x3FBA];
	_ =	sdelay $0x3  }
0x37: {  	[smem:$0x3FBA] =	sst s10  }
0x38: {  	s10 =	sld [smem:$0x3FBB]  }
0x39: {  	_ = 	snop;
	(pc) =	sbr.ind lr, $3  }
0x3a: {  	_ = 	snop  }
0x3b: {  	_ = 	snop  }
0x3c: {  	p2 =	seq.s32 s10, $0x1;
	s10 =	sld [smem:$0x3FBA]  }
0x3d: {  	_ =	shalt  }
0x3e: {  	_ =	shalt  }
0x3f: {  	_ =	shalt  }
0x40: {  	_ =	shalt  }
0x41: {  	_ =	shalt  }
0x42: {  	_ =	shalt  }
0x43: {  	_ =	shalt  }
0x44: {  	_ =	shalt  }
0x45: {  	_ =	shalt  }
0x46: {  	_ =	shalt  }
0x47: {  	_ =	shalt  }
0x48: {  	_ =	shalt  }
0x49: {  	_ =	shalt  }
0x4a: {  	_ =	shalt  }
0x4b: {  	_ =	shalt  }
0x4c: {  	_ =	shalt  }
0x4d: {  	_ =	shalt  }
0x4e: {  	_ =	shalt  }
0x4f: {  	_ =	shalt  }
0x50: {  	_ =	shalt  }
0x51: {  	_ =	shalt  }
0x52: {  	_ =	shalt  }
0x53: {  	_ =	shalt  }
0x54: {  	_ =	shalt  }
0x55: {  	_ =	shalt  }
0x56: {  	_ =	shalt  }
0x57: {  	_ =	shalt  }
0x58: {  	_ =	shalt  }
0x59: {  	_ =	shalt  }
0x5a: {  	_ =	shalt  }
0x5b: {  	_ =	shalt  }
0x5c: {  	_ =	shalt  }
0x5d: {  	_ =	shalt  }
0x5e: {  	_ =	shalt  }
0x5f: {  	_ =	shalt  }
0x60: {  	_ =	shalt  }
0x61: {  	_ =	shalt  }
0x62: {  	_ =	shalt  }
0x63: {  	_ =	shalt  }
0x64: {  	_ =	shalt  }
0x65: {  	_ =	shalt  }
0x66: {  	_ =	shalt  }
0x67: {  	_ =	shalt  }
0x68: {  	_ =	shalt  }
0x69: {  	_ =	shalt  }
0x6a: {  	_ =	shalt  }
0x6b: {  	_ =	shalt  }
0x6c: {  	_ =	shalt  }
0x6d: {  	_ =	shalt  }
0x6e: {  	_ =	shalt  }
0x6f: {  	_ =	shalt  }
0x70: {  	_ =	shalt  }
0x71: {  	_ =	shalt  }
0x72: {  	_ =	shalt  }
0x73: {  	_ =	shalt  }
0x74: {  	_ =	shalt  }
0x75: {  	_ =	shalt  }
0x76: {  	_ =	shalt  }
0x77: {  	_ =	shalt  }
0x78: {  	_ =	shalt  }
0x79: {  	_ =	shalt  }
0x7a: {  	_ =	shalt  }
0x7b: {  	_ =	shalt  }
0x7c: {  	_ =	shalt  }
0x7d: {  	_ =	shalt  }
0x7e: {  	_ =	shalt  }
0x7f: {  	_ =	shalt  }
0x80: {  	_ =	shalt  }
0x81: {  	_ =	shalt  }
0x82: {  	_ =	shalt  }
0x83: {  	_ =	shalt  }
0x84: {  	_ =	shalt  }
0x85: {  	_ =	shalt  }
0x86: {  	_ =	shalt  }
0x87: {  	_ =	shalt  }
.Lfunc_end0:
.L_simem_size_0:
called_computation_lowered:
.L_overlay_start_0:
0x88: {  	s2 =	sld [smem:$0x3FD9]  }
0x89: {  	s3 =	sld [smem:$0x3FFE];
	_ =	sdelay $0x1  }
0x8a: {  	s1 =	srdreg.scid  }
0x8b: {  	s0 =	sand.u32 $0x1, s1  }
0x8c: {  	s17 =	sshll.u32 s0, $0xA;
	s2 =	sadd.s32 s3, s2  }
0x8d: {  	s2 =	sadd.s32 s2, s17  }
0x8e: {  	[smem:$0x3FC6] =	sst s2  }
0x8f: {  	_ = 	snop  }
0x90: {  	s2 =	sld [smem:$0x3FC8]  }
0x91: {  	s18 =	sld [smem:$0x3FD0];
	(tm) =	ssettm $0x1  }
0x92: {  	s4 =	sld [smem:$0x3FFB];
	_ =	sdelay $0x3  }
0x93: {  	_ =	strace s4  }
0x94: {  	s4 =	sld [smem:$0x3FFC];
	_ =	sdelay $0x3  }
0x95: {  	_ =	strace s4  }
0x96: {  	s4 =	sld [smem:$0x3FFD];
	_ =	sdelay $0x3  }
0x97: {  	_ =	strace s4  }
0x98: {  	_ =	strace $0x8FFFFFFF  }
0x99: {  	s19 =	sld [smem:$0x3FDB];
	_ =	sdelay $0x1  }
0x9a: {  	s5 =	simm.s32 $_scs_section_size  }
0x9b: {  	s6 =	simm.s32 $_size__tile_overlayer_lowered;
	s7 =	simm.s32 $_tile_overlayer_lowered  }
0x9c: {  	s22 =	simm.s32 $0x1BFF;
	s21 =	sshll.u32 s7, $0x1;
	s4 =	sadd.s32 s5, s19  }
0x9d: {  	s8 =	simm.s32 $0x0;
	s20 =	sshll.u32 s6, $0x1;
	s6 =	sadd.s32 s21, s4  }
0x9e: {  	[timem:s8], [sflag:s22] =	dma.local [hbm:s6], s20  }
0x9f: {  	_ =	swait.ge [sflag:s22], s20  }
0xa0: {  	s5 =	ssub.s32 $0x0, s20;
	[sflag:s22] =	ssyncset.done $0x0  }
0xa1: {  	[sflag:s22] =	ssyncadd.s32 s5;
	_ =	sdelay $0x1  }
0xa2: {  	s23 =	simm.s32 $0x1B8B  }
0xa3: {  	_ =	swait.ge [sflag:s23], $0x1  }
0xa4: {  	[sflag:s23] =	ssyncset.done $0x0  }
0xa5: {  	s25 =	simm.s32 $0x1B8E;
	s24 =	sld [smem:$0x3FFE];
	[sflag:s23] =	ssyncadd.s32 $0xFFFFFFFF  }
0xa6: {  	s26 =	simm.s32 $execute0_lowered;
	[smem:$0x3FD2] =	sst s25  }
0xa7: {  	s6 =	sshll.u32 s26, $0x1;
	_ =	strace $0x80000046;
	[dreg:$0x1] =	wrdreg $0xFFFFFFFF  }
0xa8: {  	s28 =	simm.s32 $_size_execute0_lowered;
	s4 =	sadd.s32 s4, s6;
	[dreg:$0x0] =	wrdreg $0x0  }
0xa9: {  	s6 =	sshll.u32 s28, $0x1;
	[dreg:$0x2] =	wrdreg s4  }
0xaa: {  	[dreg:$0x3] =	wrdreg s6  }
0xab: {  	[dreg:$0x4] =	wrdreg $0xC0  }
0xac: {  	_ =	task [dreg:s8], $0x5FFFF  }
0xad: {  	[dreg:$0x1] =	wrdreg $0xFFFFFFFF  }
0xae: {  	[dreg:$0x0] =	wrdreg $0x60  }
0xaf: {  	[dreg:$0x2] =	wrdreg s24  }
0xb0: {  	[dreg:$0x3] =	wrdreg s2  }
0xb1: {  	[dreg:$0x4] =	wrdreg s18  }
0xb2: {  	[dreg:$0x5] =	wrdreg $0x64000  }
0xb3: {  	[dreg:$0x6] =	wrdreg $0x9  }
0xb4: {  	_ =	task.clear_ibuf [dreg:s8], $0x7FFFF;
	_ =	strace $0x90000046  }
0xb5: {  	s29 =	simm.s32 $0x9;
	_ =	strace $0x80000048  }
0xb6: {  	_ =	swait.ge [sflag:s29], $0x1  }
0xb7: {  	[sflag:s29] =	ssyncadd.s32 $0xFFFFFFFF  }
0xb8: {  	_ =	strace $0x90000048  }
0xb9: {  	_ =	sfence  }
0xba: {  	s30 =	sld [smem:$0x0];
	_ =	sdelay $0x2  }
0xbb: {  	s31 =	sshll.u32 s1, $0xD;
	s1 =	sshrl.u32 s1, $0x2  }
0xbc: {  	s3 =	sand.u32 $0x4000, s31;
	s1 =	sadd.s32 s1, s30  }
0xbd: {  	s0 =	sor.u32 s3, s0;
	s1 =	sshll.u32 s1, $0x11  }
0xbe: {  	s0 =	sor.u32 s1, s0  }
0xbf: {  	s0 =	sadd.s32 $0x8F2B, s0  }
0xc0: {  	[sflag:s0] =	ssyncadd.remote.s32 $0x1  }
0xc1: {  	_ =	sfence.sel $0xFFFF  }
0xc2: {  	[dreg:$0x0] =	wrdreg $0xFFFFFFFF;
	(pc) =	sbr.abs _section_cstart, $3  }
0xc3: {  	[dreg:$0x1] =	wrdreg $0xFFFFFFFF  }
0xc4: {  	_ =	task.clear_ibuf [dreg:s8], $0x2FFFF;
	_ =	strace $0x9FFFFFFF  }
0xc5: {  	(tm) =	ssettm $0x7FFFFFFF  }
tec
execute0_lowered:
.L_overlay_start_1:
0x0: {  	(tag) =	ssettag $0x1  }
0x1: {  	s4 =	rddreg [dreg:$0x0]  }
0x2: {  	s0 =	rddreg [dreg:$0x1]  }
0x3: {  	s1 =	srdreg.scid;
	s9 =	rddreg [dreg:$0x2]  }
0x4: {  	s8 =	stileid.u32;
	s2 =	rddreg [dreg:$0x3];
	s3 =	simm.s32 $0x0  }
0x5: {  	s13 =	simm.s32 $0x12340;
	s14 =	simm.s32 $0x1;
	s15 =	simm.s32 $0x2  }
0x6: {  	s16 =	simm.s32 $0x3;
	s17 =	simm.s32 $0x280;
	s18 =	simm.s32 $0x4  }
0x7: {  	s19 =	simm.s32 $0x0;
	s7 =	sand.u32 $0x1, s1;
	s25 =	sshll.u32 s8, $0x1  }
0x8: {  	s1 =	rddreg [dreg:$0x4];
	s29 =	smul.u32 $0xC8000, s8;
	s5 =	sor.u32 s7, s25  }
0x9: {  	[smem:$0x7FF] =	sst s3;
	p0 =	sne.s32 s8, $0x0;
	s6 =	smul.u32 $0x6400, s5  }
0xa: {  	s11 =	ssub.s32 $0x2, s7;
	_ =	strace $0x80000047;
	s28 =	smul.u32 $0x64000, s5  }
0xb: {  	s31 =	smul.u32 $0x64000, s7;
	s26 =	sshrl.u32 s11, $0x1;
	s10 =	sshrl.u32 s6, $0x3  }
.Ltmp0:
0xc: {  	s12 =	sshll.u32 s6, $0x4;
	s6 =	sadd.s32 s9, s28;
	(pc) =	sbr.rel .LBB2_1-.Ltmp0, $4  }
0xd: {  	s4 =	sadd.s32 s10, s4;
	s10 =	ssub.s32 s11, s26;
	s30 =	sadd.s32 s12, s9  }
0xe: {  	s9 =	sadd.s32 s29, s9;
	s11 =	simm.s32 $0x140;
	s12 =	simm.s32 $0x8340  }
0xf: {  	s4 =	sadd.s32 $0x400, s4;
	s5 =	smax.u32 s10, $0x1;
	s7 =	sadd.s32 $0x1400, s30  }
0x10: {  	s8 =	sadd.s32 s31, s9;
	s9 =	sshrl.u32 @!p0 s2, $0x3;
	s10 =	simm.s32 $0x5  }
.LBB2_4:
0x11: {  	s19 =	sadd.s32 $0x1, s19  }
0x12: {  	p1 =	sne.s32 s19, s5  }
.Ltmp1:
0x13: {  	_ = 	snop;
	(pc) =	sbr.rel @!p1 .LBB2_5-.Ltmp1, $4  }
0x14: {  	_ = 	snop  }
0x15: {  	_ =	swait.ge [sflag:s18], $0xA000  }
0x16: {  	[sflag:s18] =	ssyncset.done $0x0  }
0x17: {  	[sflag:s18] =	ssyncadd.s32 $0xFFFF6000  }
.LBB2_1:
0x18: {  	s20 =	simm.s32 @!p0 $0x1C05  }
0x19: {  	[spmem:s9], [sflag:s20] =	dma.local @!p0 [hbm:s0], $0x3E80  }
0x1a: {  	s20 =	simm.s32 @!p0 $0x5  }
0x1b: {  	_ =	swait.ge @!p0 [sflag:s20], $0x3E80  }
0x1c: {  	[sflag:s20] =	ssyncset.done @!p0 $0x0  }
0x1d: {  	[sflag:s20] =	ssyncadd.s32 @!p0 $0xFFFFC180  }
0x1e: {  	[tilespmem:s3], [sflag:$0x5] =	stream.linear.gather [hbm4b:s4+s3], $0x6400, $0x38;
	[tilespmem:$0x1C340] =	vst v63  }
0x1f: {  	_ =	swait.ge [sflag:s10], $0x6400  }
0x20: {  	[sflag:s10] =	ssyncset.done $0x0  }
0x21: {  	[sflag:s10] =	ssyncadd.s32 $0xFFFF9C00  }
0x22: {  	[bflag:$0x0] =	sbarrier.arrive $0xFFFF  }
0x23: {  	[tilespmem:s12], [sflag:$0x1] =	stream.indirect.gather [spmem:s2], $0x80, s3, s11, $0xb8;
	[tilespmem:$0x1C340] =	vst v63  }
0x24: {  	_ = 	snop  }
0x25: {  	[tilespmem:s13], [sflag:$0x2] =	stream.indirect.gather [spmem:s2], $0x80, s11, s11, $0xb8;
	[tilespmem:$0x1C340] =	vst v63  }
0x26: {  	_ =	swait.ge [sflag:s14], $0xA000  }
0x27: {  	[sflag:s14] =	ssyncset.done $0x0  }
0x28: {  	[sflag:s14] =	ssyncadd.s32 $0xFFFF6000  }
0x29: {  	[hbm4b:s6+s3] =	stream.linear.scatter [tilespmem:s12], [sflag:$0x3], $0xA000, $0x38;
	[tilespmem:$0x1C340] =	vst v63  }
0x2a: {  	_ =	swait.ge [sflag:s15], $0xA000  }
0x2b: {  	[sflag:s15] =	ssyncset.done $0x0  }
0x2c: {  	[sflag:s15] =	ssyncadd.s32 $0xFFFF6000  }
0x2d: {  	[hbm4b:s7+s3] =	stream.linear.scatter [tilespmem:s13], [sflag:$0x4], $0xA000, $0x38;
	[tilespmem:$0x1C340] =	vst v63  }
0x2e: {  	_ =	swait.ge [sflag:s16], $0xA000  }
0x2f: {  	[sflag:s16] =	ssyncset.done $0x0  }
0x30: {  	s21 =	simm.s32 $0x0;
	s20 =	simm.s32 $0x500;
	[sflag:s16] =	ssyncadd.s32 $0xFFFF6000  }
0x31: {  	[tilespmem:s12], [sflag:$0x1] =	stream.indirect.gather [spmem:s2], $0x80, s17, s11, $0xb8;
	[tilespmem:$0x1C340] =	vst v63  }
.LBB2_2:
0x32: {  	_ =	swait.ge [sflag:s14], $0xA000  }
0x33: {  	s22 =	sadd.s32 s21, s8;
	[sflag:s14] =	ssyncset.done $0x0  }
0x34: {  	s23 =	sadd.s32 $0x2800, s22;
	[sflag:s14] =	ssyncadd.s32 $0xFFFF6000  }
0x35: {  	[hbm4b:s23+s3] =	stream.linear.scatter [tilespmem:s12], [sflag:$0x3], $0xA000, $0x38;
	[tilespmem:$0x1C340] =	vst v63  }
0x36: {  	_ =	swait.ge [sflag:s18], $0xA000  }
0x37: {  	[sflag:s18] =	ssyncset.done $0x0  }
0x38: {  	s31 =	sadd.s32 $0xFFFFFEC0, s20;
	[sflag:s18] =	ssyncadd.s32 $0xFFFF6000  }
0x39: {  	[tilespmem:s13], [sflag:$0x2] =	stream.indirect.gather [spmem:s2], $0x80, s31, s11, $0xb8;
	[tilespmem:$0x1C340] =	vst v63  }
0x3a: {  	_ =	swait.ge [sflag:s15], $0xA000  }
0x3b: {  	p1 =	seq.s32 s21, $0x5F000;
	[sflag:s15] =	ssyncset.done $0x0  }
.Ltmp2:
0x3c: {  	s22 =	sadd.s32 $0x3C00, s22;
	[sflag:s15] =	ssyncadd.s32 $0xFFFF6000;
	(pc) =	sbr.rel @p1 .LBB2_4-.Ltmp2, $4  }
0x3d: {  	[hbm4b:s22+s3] =	stream.linear.scatter [tilespmem:s13], [sflag:$0x4], $0xA000, $0x38;
	[tilespmem:$0x1C340] =	vst v63  }
0x3e: {  	_ =	swait.ge [sflag:s16], $0xA000  }
0x3f: {  	[sflag:s16] =	ssyncset.done $0x0  }
0x40: {  	[sflag:s16] =	ssyncadd.s32 $0xFFFF6000  }
.Ltmp3:
0x41: {  	(pc) =	sbr.rel .LBB2_2-.Ltmp3, $3  }
0x42: {  	_ =	sdelay $0x1  }
0x43: {  	[tilespmem:s12], [sflag:$0x1] =	stream.indirect.gather [spmem:s2], $0x80, s20, s11, $0xb8;
	[tilespmem:$0x1C340] =	vst v63  }
0x44: {  	s21 =	sadd.s32 $0x2800, s21;
	s20 =	sadd.s32 $0x280, s20  }
.LBB2_5:
0x45: {  	_ =	sfence.sel $0x180000  }
0x46: {  	[bflag:$0x0] =	sbarrier.arrive $0xFFFF  }
0x47: {  	_ =	strace $0x90000047  }
0x48: {  	s0 =	sadd.s32 @!p0 $0x100000, s1;
	[bflag:$0x2] =	sbarrier.arrive $0xFFFF  }
0x49: {  	[sflag:s0] =	ssyncadd.tile.s32 @!p0 $0x1;
	_ =	shalt  }
.Lfunc_end2:
_tile_overlayer_lowered:
.L_overlay_start_2:
0x4a: {  	(tag) =	ssettag $0x2  }
0x4b: {  	s0 =	rddreg [dreg:$0x0];
	s2 =	stileid.u32  }
0x4c: {  	s1 =	rddreg [dreg:$0x1];
	p0 =	sne.s32 s2, $0x0  }
0x4d: {  	s3 =	rddreg [dreg:$0x2];
	[bflag:$0x3] =	sbarrier.arrive $0xFFFF;
	s2 =	simm.s32 @!p0 $0x1C05  }
0x4e: {  	[timem:s3], [sflag:s2] =	dma.local @!p0 [hbm:s0], s1  }
0x4f: {  	s0 =	simm.s32 @!p0 $0x5  }
0x50: {  	_ =	swait.ge @!p0 [sflag:s0], s1  }
0x51: {  	s1 =	ssub.s32 @!p0 $0x0, s1;
	[sflag:s0] =	ssyncset.done @!p0 $0x0  }
0x52: {  	[sflag:s0] =	ssyncadd.s32 @!p0 s1  }
0x53: {  	[bflag:$0x3] =	sbarrier.arrive $0xFFFF  }
0x54: {  	_ =	shalt  }

</sc_bundles>
